<compile_context>
chip_gen: v7x
topology: tpu7x:2x2x1
jax: 0.10.2.dev20260603
libtpu: 0.0.44.dev20260713+nightly
codegen_flags: <defaults>
</compile_context>

<pallas_src>
import functools

import jax
import jax.numpy as jnp
from jax import lax
from jax.experimental import pallas as pl
from jax.experimental.pallas import tpu as pltpu
from jax.experimental.pallas import tpu_sc as plsc

BATCH = 16384
NUM_DOMAINS = 26
TABLE_PAD = 32
NUM_CORES = 1
NUM_SUBCORES = 16
NUM_WORKERS = NUM_CORES * NUM_SUBCORES
CHUNK = BATCH // NUM_WORKERS
LANES = 16


def _softplus(w):
    t = jnp.exp(-jnp.abs(w))
    s = t / (2.0 + t)
    s2 = s * s
    log1p = 2.0 * s * (1.0 + s2 * (1.0 / 3.0 + s2 * (0.2 + s2 * (1.0 / 7.0))))
    return jnp.maximum(w, 0.0) + log1p


@functools.partial(
    pl.kernel,
    mesh=plsc.VectorSubcoreMesh(core_axis_name="c", subcore_axis_name="s",
                                num_cores=NUM_CORES,
                                num_subcores=NUM_SUBCORES),
    out_type=jax.ShapeDtypeStruct((BATCH,), jnp.float32),
    compiler_params=pltpu.CompilerParams(needs_layout_passes=False),
    scratch_types=[
        pltpu.VMEM((TABLE_PAD,), jnp.float32),
        pltpu.VMEM((TABLE_PAD,), jnp.float32),
        pltpu.VMEM((CHUNK,), jnp.int32),
        pltpu.VMEM((CHUNK,), jnp.float32),
        pltpu.VMEM((CHUNK,), jnp.float32),
        pltpu.SemaphoreType.DMA,
        pltpu.SemaphoreType.DMA,
        pltpu.SemaphoreType.DMA,
    ],
)
def _domain_scale(idx_hbm, x_hbm, w_hbm, out_hbm,
                  w_v, table_v, idx_v, x_v, out_v, sem_i, sem_x, sem_o):
    wid = lax.axis_index("s") * NUM_CORES + lax.axis_index("c")
    base = wid * CHUNK

    cp_w = pltpu.async_copy(w_hbm, w_v.at[pl.ds(0, NUM_DOMAINS)], sem_o)
    cp_i = pltpu.async_copy(idx_hbm.at[pl.ds(base, CHUNK)], idx_v, sem_i)
    cp_x = pltpu.async_copy(x_hbm.at[pl.ds(base, CHUNK)], x_v, sem_x)
    cp_w.wait()
    sp = []
    for j in range(TABLE_PAD // LANES):
        w = w_v[pl.ds(j * LANES, LANES)]
        sp.append(_softplus(w))
    lane = lax.iota(jnp.int32, LANES)
    masked = sp[0] + jnp.where(lane < NUM_DOMAINS - LANES, sp[1], 0.0)
    total = jnp.sum(masked)
    scale = jnp.float32(NUM_DOMAINS) / lax.broadcast_in_dim(
        total, (LANES,), ())
    for j in range(TABLE_PAD // LANES):
        table_v[pl.ds(j * LANES, LANES)] = sp[j] * scale

    cp_i.wait()
    cp_x.wait()

    @plsc.parallel_loop(0, CHUNK, step=LANES, unroll=8)
    def _gather(i):
        sl = pl.ds(i, LANES)
        wv = plsc.load_gather(table_v, [idx_v[sl]])
        out_v[sl] = x_v[sl] * wv

    pltpu.sync_copy(out_v, out_hbm.at[pl.ds(base, CHUNK)])


def kernel(domain_strings, x, raw_weights):
    idx = domain_strings.astype(jnp.int32)
    xf = x.reshape(BATCH).astype(jnp.float32)
    out = _domain_scale(idx, xf, raw_weights.astype(jnp.float32))
    return out.reshape(BATCH, 1)

# --- scband reference (transcript-rebuilt; emitter-appended) ---
"""Pipeline reference for scband-domain-table-15539191677619 (READ-ONLY COPY).

The authoritative reference and input builder live on the scoring server;
editing this copy changes nothing except your own understanding.
"""

import jax, jax.numpy as jnp
import numpy as np

BATCH = 16384
NUM_DOMAINS = 26


def setup_inputs(seed: int = 0) -> dict:
    key = jax.random.key(seed)
    k1, k2, k3 = jax.random.split(key, 3)
    x = jax.random.normal(k1, (BATCH, 1), dtype=jnp.float32)
    domain_strings = jax.random.randint(k2, (BATCH,), 0, NUM_DOMAINS)
    # Learned parameter (nn.Parameter of shape [num_domains]); randomized for a
    # non-trivial reference instead of the degenerate all-zeros init.
    raw_weights = jax.random.normal(k3, (NUM_DOMAINS,), dtype=jnp.float32) * 0.1
    return {"domain_strings": domain_strings, "x": x, "raw_weights": raw_weights}


def reference(domain_strings, x, raw_weights):
    positive_weights = jax.nn.softplus(raw_weights)
    mean_weights = jnp.mean(positive_weights)
    normalized_weights = positive_weights / mean_weights
    domain_weights = jnp.take(normalized_weights, domain_strings, axis=0)
    domain_weights = domain_weights.reshape(-1, 1)
    out = x * domain_weights
    return out

if __name__ == "__main__":
    import jax
    _d = setup_inputs()
    print(jax.jit(kernel)(*tuple(_d.values())))

</pallas_src>

<mosaic_0001>
#map = affine_map<(d0, d1) -> (0)>
module attributes {stable_mosaic.version = 14 : i64} {
  func.func @_domain_scale(%arg0: i32, %arg1: i32, %arg2: memref<16384xi32, #tpu.memory_space<hbm>>, %arg3: memref<16384xf32, #tpu.memory_space<hbm>>, %arg4: memref<26xf32, #tpu.memory_space<hbm>>, %arg5: memref<16384xf32, #tpu.memory_space<hbm>>, %arg6: memref<32xf32, #tpu.memory_space<vmem>>, %arg7: memref<32xf32, #tpu.memory_space<vmem>>, %arg8: memref<1024xi32, #tpu.memory_space<vmem>>, %arg9: memref<1024xf32, #tpu.memory_space<vmem>>, %arg10: memref<1024xf32, #tpu.memory_space<vmem>>, %arg11: memref<!tpu.dma_semaphore, #tpu.memory_space<semaphore_mem>>, %arg12: memref<!tpu.dma_semaphore, #tpu.memory_space<semaphore_mem>>, %arg13: memref<!tpu.dma_semaphore, #tpu.memory_space<semaphore_mem>>) attributes {dimension_semantics = [#tpu.dimension_semantics<core_parallel>, #tpu.dimension_semantics<subcore_parallel>], iteration_bounds = array<i64: 1, 16>, scalar_prefetch = 0 : i64, scratch_operands = 8 : i64, tpu.core_type = #tpu.core_type<sc_vector_subcore>, window_params = [{transform_indices = #map}, {transform_indices = #map}, {transform_indices = #map}, {transform_indices = #map}]} {
    %mul3A = arith.constant 1 : i32
    %mul3A_0 = arith.muli %arg1, %mul3A : i32
    %add3A = arith.addi %mul3A_0, %arg0 : i32
    %mul3A_1 = arith.constant 1024 : i32
    %mul3A_2 = arith.muli %add3A, %mul3A_1 : i32
    %dma_start3A = arith.constant 0 : i32
    %dma_start3A_3 = tpu.memref_slice %arg6[%dma_start3A] : memref<32xf32, #tpu.memory_space<vmem>> -> memref<26xf32, #tpu.memory_space<vmem>>
    %dma_start3A_4 = arith.constant 0 : i32
    %dma_start3A_5 = tpu.memref_slice %arg6[%dma_start3A_4] : memref<32xf32, #tpu.memory_space<vmem>> -> memref<26xf32, #tpu.memory_space<vmem>>
    tpu.enqueue_dma source(%arg4 : memref<26xf32, #tpu.memory_space<hbm>>) target(%dma_start3A_5 : memref<26xf32, #tpu.memory_space<vmem>>) target_semaphore(%arg13 : memref<!tpu.dma_semaphore, #tpu.memory_space<semaphore_mem>>)
    %dma_start3A_6 = tpu.memref_slice %arg2[%mul3A_2] : memref<16384xi32, #tpu.memory_space<hbm>> -> memref<1024xi32, #tpu.memory_space<hbm>>
    %dma_start3A_7 = tpu.memref_slice %arg2[%mul3A_2] : memref<16384xi32, #tpu.memory_space<hbm>> -> memref<1024xi32, #tpu.memory_space<hbm>>
    tpu.enqueue_dma source(%dma_start3A_7 : memref<1024xi32, #tpu.memory_space<hbm>>) target(%arg8 : memref<1024xi32, #tpu.memory_space<vmem>>) target_semaphore(%arg11 : memref<!tpu.dma_semaphore, #tpu.memory_space<semaphore_mem>>)
    %dma_start3A_8 = tpu.memref_slice %arg3[%mul3A_2] : memref<16384xf32, #tpu.memory_space<hbm>> -> memref<1024xf32, #tpu.memory_space<hbm>>
    %dma_start3A_9 = tpu.memref_slice %arg3[%mul3A_2] : memref<16384xf32, #tpu.memory_space<hbm>> -> memref<1024xf32, #tpu.memory_space<hbm>>
    tpu.enqueue_dma source(%dma_start3A_9 : memref<1024xf32, #tpu.memory_space<hbm>>) target(%arg9 : memref<1024xf32, #tpu.memory_space<vmem>>) target_semaphore(%arg12 : memref<!tpu.dma_semaphore, #tpu.memory_space<semaphore_mem>>)
    %dma_wait3A = arith.constant 0 : i32
    %dma_wait3A_10 = tpu.memref_slice %arg6[%dma_wait3A] : memref<32xf32, #tpu.memory_space<vmem>> -> memref<26xf32, #tpu.memory_space<vmem>>
    %dma_wait3A_11 = arith.constant 0 : i32
    %dma_wait3A_12 = tpu.memref_slice %arg6[%dma_wait3A_11] : memref<32xf32, #tpu.memory_space<vmem>> -> memref<26xf32, #tpu.memory_space<vmem>>
    tpu.wait_dma2 semaphore(%arg13 : memref<!tpu.dma_semaphore, #tpu.memory_space<semaphore_mem>>) src(%arg4 : memref<26xf32, #tpu.memory_space<hbm>>) dst(%dma_wait3A_12 : memref<26xf32, #tpu.memory_space<vmem>>)
    %get3A = arith.constant 0 : index
    %get3A_13 = tpu.vector_load %arg6[%get3A] {strides = array<i32>} : memref<32xf32, #tpu.memory_space<vmem>>, vector<16xf32>,
    %abs3A = math.absf %get3A_13 : vector<16xf32>
    %neg3A = arith.constant 0.000000e+00 : f32
    %neg3A_14 = vector.broadcast %neg3A : f32 to vector<16xf32>
    %neg3A_15 = arith.subf %neg3A_14, %abs3A : vector<16xf32>
    %exp3A = math.exp %neg3A_15 : vector<16xf32>
    %add3A_16 = arith.constant 2.000000e+00 : f32
    %add3A_17 = vector.broadcast %add3A_16 : f32 to vector<16xf32>
    %add3A_18 = arith.addf %add3A_17, %exp3A : vector<16xf32>
    %div3A = arith.divf %exp3A, %add3A_18 : vector<16xf32>
    %mul3A_19 = arith.mulf %div3A, %div3A : vector<16xf32>
    %mul3A_20 = arith.constant 2.000000e+00 : f32
    %mul3A_21 = vector.broadcast %mul3A_20 : f32 to vector<16xf32>
    %mul3A_22 = arith.mulf %mul3A_21, %div3A : vector<16xf32>
    %mul3A_23 = arith.constant 0.142857149 : f32
    %mul3A_24 = vector.broadcast %mul3A_23 : f32 to vector<16xf32>
    %mul3A_25 = arith.mulf %mul3A_19, %mul3A_24 : vector<16xf32>
    %add3A_26 = arith.constant 2.000000e-01 : f32
    %add3A_27 = vector.broadcast %add3A_26 : f32 to vector<16xf32>
    %add3A_28 = arith.addf %add3A_27, %mul3A_25 : vector<16xf32>
    %mul3A_29 = arith.mulf %mul3A_19, %add3A_28 : vector<16xf32>
    %add3A_30 = arith.constant 0.333333343 : f32
    %add3A_31 = vector.broadcast %add3A_30 : f32 to vector<16xf32>
    %add3A_32 = arith.addf %add3A_31, %mul3A_29 : vector<16xf32>
    %mul3A_33 = arith.mulf %mul3A_19, %add3A_32 : vector<16xf32>
    %add3A_34 = arith.constant 1.000000e+00 : f32
    %add3A_35 = vector.broadcast %add3A_34 : f32 to vector<16xf32>
    %add3A_36 = arith.addf %add3A_35, %mul3A_33 : vector<16xf32>
    %mul3A_37 = arith.mulf %mul3A_22, %add3A_36 : vector<16xf32>
    %max3A = arith.constant 0.000000e+00 : f32
    %max3A_38 = vector.broadcast %max3A : f32 to vector<16xf32>
    %max3A_39 = arith.maximumf %get3A_13, %max3A_38 : vector<16xf32>
    %add3A_40 = arith.addf %max3A_39, %mul3A_37 : vector<16xf32>
    %get3A_41 = arith.constant 16 : index
    %get3A_42 = tpu.vector_load %arg6[%get3A_41] {strides = array<i32>} : memref<32xf32, #tpu.memory_space<vmem>>, vector<16xf32>,
    %abs3A_43 = math.absf %get3A_42 : vector<16xf32>
    %neg3A_44 = arith.constant 0.000000e+00 : f32
    %neg3A_45 = vector.broadcast %neg3A_44 : f32 to vector<16xf32>
    %neg3A_46 = arith.subf %neg3A_45, %abs3A_43 : vector<16xf32>
    %exp3A_47 = math.exp %neg3A_46 : vector<16xf32>
    %add3A_48 = arith.constant 2.000000e+00 : f32
    %add3A_49 = vector.broadcast %add3A_48 : f32 to vector<16xf32>
    %add3A_50 = arith.addf %add3A_49, %exp3A_47 : vector<16xf32>
    %div3A_51 = arith.divf %exp3A_47, %add3A_50 : vector<16xf32>
    %mul3A_52 = arith.mulf %div3A_51, %div3A_51 : vector<16xf32>
    %mul3A_53 = arith.constant 2.000000e+00 : f32
    %mul3A_54 = vector.broadcast %mul3A_53 : f32 to vector<16xf32>
    %mul3A_55 = arith.mulf %mul3A_54, %div3A_51 : vector<16xf32>
    %mul3A_56 = arith.constant 0.142857149 : f32
    %mul3A_57 = vector.broadcast %mul3A_56 : f32 to vector<16xf32>
    %mul3A_58 = arith.mulf %mul3A_52, %mul3A_57 : vector<16xf32>
    %add3A_59 = arith.constant 2.000000e-01 : f32
    %add3A_60 = vector.broadcast %add3A_59 : f32 to vector<16xf32>
    %add3A_61 = arith.addf %add3A_60, %mul3A_58 : vector<16xf32>
    %mul3A_62 = arith.mulf %mul3A_52, %add3A_61 : vector<16xf32>
    %add3A_63 = arith.constant 0.333333343 : f32
    %add3A_64 = vector.broadcast %add3A_63 : f32 to vector<16xf32>
    %add3A_65 = arith.addf %add3A_64, %mul3A_62 : vector<16xf32>
    %mul3A_66 = arith.mulf %mul3A_52, %add3A_65 : vector<16xf32>
    %add3A_67 = arith.constant 1.000000e+00 : f32
    %add3A_68 = vector.broadcast %add3A_67 : f32 to vector<16xf32>
    %add3A_69 = arith.addf %add3A_68, %mul3A_66 : vector<16xf32>
    %mul3A_70 = arith.mulf %mul3A_55, %add3A_69 : vector<16xf32>
    %max3A_71 = arith.constant 0.000000e+00 : f32
    %max3A_72 = vector.broadcast %max3A_71 : f32 to vector<16xf32>
    %max3A_73 = arith.maximumf %get3A_42, %max3A_72 : vector<16xf32>
    %add3A_74 = arith.addf %max3A_73, %mul3A_70 : vector<16xf32>
    %iota3A = tpu.iota {dimensions = array<i32: 0>} : vector<16xi32>
    %lt3A = arith.constant 10 : i32
    %lt3A_75 = vector.broadcast %lt3A : i32 to vector<16xi32>
    %lt3A_76 = arith.cmpi slt, %iota3A, %lt3A_75 : vector<16xi32>
    %jit3A = arith.constant 0.000000e+00 : f32
    %broadcast_in_dim3A = vector.broadcast %jit3A : f32 to vector<16xf32>
    %select_n3A = arith.select %lt3A_76, %add3A_74, %broadcast_in_dim3A : vector<16xi1>, vector<16xf32>
    %add3A_77 = arith.addf %add3A_40, %select_n3A : vector<16xf32>
    %reduce_sum3A = arith.constant true
    %reduce_sum3A_78 = vector.broadcast %reduce_sum3A : i1 to vector<16xi1>
    %reduce_sum3A_79 = tpu.scan <sum>, %add3A_77 masked %reduce_sum3A_78 : vector<16xf32>, vector<16xi1> -> vector<16xf32>
    %reduce_sum3A_80 = vector.extract %reduce_sum3A_79[15] : f32 from vector<16xf32>
    %broadcast_in_dim3A_81 = vector.broadcast %reduce_sum3A_80 : f32 to vector<16xf32>
    %div3A_82 = arith.constant 2.600000e+01 : f32
    %div3A_83 = vector.broadcast %div3A_82 : f32 to vector<16xf32>
    %div3A_84 = arith.divf %div3A_83, %broadcast_in_dim3A_81 : vector<16xf32>
    %mul3A_85 = arith.mulf %add3A_40, %div3A_84 : vector<16xf32>
    %swap3A = arith.constant 0 : index
    %swap3A_86 = tpu.vector_load %arg7[%swap3A] {strides = array<i32>} : memref<32xf32, #tpu.memory_space<vmem>>, vector<16xf32>,
    tpu.vector_store %arg7[%swap3A], %mul3A_85 {strides = array<i32>} : memref<32xf32, #tpu.memory_space<vmem>>, vector<16xf32>,
    %mul3A_87 = arith.mulf %add3A_74, %div3A_84 : vector<16xf32>
    %swap3A_88 = arith.constant 16 : index
    %swap3A_89 = tpu.vector_load %arg7[%swap3A_88] {strides = array<i32>} : memref<32xf32, #tpu.memory_space<vmem>>, vector<16xf32>,
    tpu.vector_store %arg7[%swap3A_88], %mul3A_87 {strides = array<i32>} : memref<32xf32, #tpu.memory_space<vmem>>, vector<16xf32>,
    %dma_wait3A_90 = tpu.memref_slice %arg2[%mul3A_2] : memref<16384xi32, #tpu.memory_space<hbm>> -> memref<1024xi32, #tpu.memory_space<hbm>>
    %dma_wait3A_91 = tpu.memref_slice %arg2[%mul3A_2] : memref<16384xi32, #tpu.memory_space<hbm>> -> memref<1024xi32, #tpu.memory_space<hbm>>
    tpu.wait_dma2 semaphore(%arg11 : memref<!tpu.dma_semaphore, #tpu.memory_space<semaphore_mem>>) src(%dma_wait3A_91 : memref<1024xi32, #tpu.memory_space<hbm>>) dst(%arg8 : memref<1024xi32, #tpu.memory_space<vmem>>)
    %dma_wait3A_92 = tpu.memref_slice %arg3[%mul3A_2] : memref<16384xf32, #tpu.memory_space<hbm>> -> memref<1024xf32, #tpu.memory_space<hbm>>
    %dma_wait3A_93 = tpu.memref_slice %arg3[%mul3A_2] : memref<16384xf32, #tpu.memory_space<hbm>> -> memref<1024xf32, #tpu.memory_space<hbm>>
    tpu.wait_dma2 semaphore(%arg12 : memref<!tpu.dma_semaphore, #tpu.memory_space<semaphore_mem>>) src(%dma_wait3A_93 : memref<1024xf32, #tpu.memory_space<hbm>>) dst(%arg9 : memref<1024xf32, #tpu.memory_space<vmem>>)
    %parallel_loop3A = arith.constant 0 : i32
    %parallel_loop3A_94 = arith.constant 1024 : i32
    %parallel_loop3A_95 = arith.constant 16 : i32
    scf.for %parallel_loop3A_96 = %parallel_loop3A to %parallel_loop3A_94 step %parallel_loop3A_95  : i32 {
      %parallel_loop3A_97 = arith.index_cast %parallel_loop3A_96 : i32 to index
      %parallel_loop3A_98 = tpu.vector_load %arg8[%parallel_loop3A_97] {strides = array<i32>} : memref<1024xi32, #tpu.memory_space<vmem>>, vector<16xi32>,
      %parallel_loop3A_99 = tpu.vector_load_idx %arg7[%parallel_loop3A_98] : memref<32xf32, #tpu.memory_space<vmem>>[vector<16xi32>], vector<16xf32>,
      %parallel_loop3A_100 = arith.index_cast %parallel_loop3A_96 : i32 to index
      %parallel_loop3A_101 = tpu.vector_load %arg9[%parallel_loop3A_100] {strides = array<i32>} : memref<1024xf32, #tpu.memory_space<vmem>>, vector<16xf32>,
      %parallel_loop3A_102 = arith.mulf %parallel_loop3A_101, %parallel_loop3A_99 : vector<16xf32>
      %parallel_loop3A_103 = arith.index_cast %parallel_loop3A_96 : i32 to index
      %parallel_loop3A_104 = tpu.vector_load %arg10[%parallel_loop3A_103] {strides = array<i32>} : memref<1024xf32, #tpu.memory_space<vmem>>, vector<16xf32>,
      tpu.vector_store %arg10[%parallel_loop3A_103], %parallel_loop3A_102 {strides = array<i32>} : memref<1024xf32, #tpu.memory_space<vmem>>, vector<16xf32>,
    } {sc.loop_unroll_factor = 8 : i64, sc.parallel_access}
    "tpu.region"() ({
      %run_scoped3A = tpu.sem_alloc : memref<!tpu.dma_semaphore, #tpu.memory_space<semaphore_mem>>
      %dma_start3A_96 = tpu.memref_slice %arg5[%mul3A_2] : memref<16384xf32, #tpu.memory_space<hbm>> -> memref<1024xf32, #tpu.memory_space<hbm>>
      %dma_start3A_97 = tpu.memref_slice %arg5[%mul3A_2] : memref<16384xf32, #tpu.memory_space<hbm>> -> memref<1024xf32, #tpu.memory_space<hbm>>
      tpu.enqueue_dma source(%arg10 : memref<1024xf32, #tpu.memory_space<vmem>>) target(%dma_start3A_97 : memref<1024xf32, #tpu.memory_space<hbm>>) target_semaphore(%run_scoped3A : memref<!tpu.dma_semaphore, #tpu.memory_space<semaphore_mem>>)
      %dma_wait3A_98 = tpu.memref_slice %arg5[%mul3A_2] : memref<16384xf32, #tpu.memory_space<hbm>> -> memref<1024xf32, #tpu.memory_space<hbm>>
      %dma_wait3A_99 = tpu.memref_slice %arg5[%mul3A_2] : memref<16384xf32, #tpu.memory_space<hbm>> -> memref<1024xf32, #tpu.memory_space<hbm>>
      tpu.wait_dma2 semaphore(%run_scoped3A : memref<!tpu.dma_semaphore, #tpu.memory_space<semaphore_mem>>) src(%arg10 : memref<1024xf32, #tpu.memory_space<vmem>>) dst(%dma_wait3A_99 : memref<1024xf32, #tpu.memory_space<hbm>>)
      tpu.yield
    }) : () -> ()
    return
  }
}

</mosaic_0001>

<sc_bundles>
// kernel: kernel.3.cloned.1.call-start
scs
__scs_entry_jumppad:
0x0: {  	(pc) =	sbr.rel $0x88, $3  }
0x1: {  	(tag) =	ssettag $0x0;
	lr =	simm.s32 $0x1  }
0x2: {  	[smem:$0x3F9E] =	sst lr;
	_ =	strace $0xD0000000  }
0x3: {  	_ = 	snop  }
0x4: {  	_ = 	snop  }
0x5: {  	_ = 	snop  }
0x6: {  	_ = 	snop  }
0x7: {  	_ = 	snop  }
__scs_overlays_trampoline_lowered:
0x8: {  	[smem:$0x3FAD] =	sst s0  }
0x9: {  	[smem:$0x3FAE] =	sst s1  }
0xa: {  	[smem:$0x3FAF] =	sst s2  }
0xb: {  	[smem:$0x3FB0] =	sst s3  }
0xc: {  	[smem:$0x3FB1] =	sst s4  }
0xd: {  	[smem:$0x3FB2] =	sst s5  }
0xe: {  	[smem:$0x3FB3] =	sst s6  }
0xf: {  	[smem:$0x3FB4] =	sst s7  }
0x10: {  	[smem:$0x3FB5] =	sst s8  }
0x11: {  	[smem:$0x3FB6] =	sst s9;
	s0 =	simm.s32 @!p0 $0x0  }
0x12: {  	s1 =	sld [smem:$0x3F9C];
	s0 =	simm.s32 @p0 $0x1  }
0x13: {  	[smem:$0x3FB7] =	sst s0;
	s0 =	simm.s32 @!p1 $0x0  }
0x14: {  	s2 =	sld [smem:$0x3F9B];
	s0 =	simm.s32 @p1 $0x1  }
0x15: {  	[smem:$0x3FB8] =	sst s0;
	s0 =	simm.s32 @!p2 $0x0  }
0x16: {  	s3 =	sld [smem:$0x3FDB];
	s0 =	simm.s32 @p2 $0x1  }
0x17: {  	s4 =	simm.s32 $0x1BF5;
	[smem:$0x3FBA] =	sst s0  }
0x18: {  	s0 =	sld [smem:$0x3F9D];
	_ =	swait.ge [sflag:s4], $0x0  }
0x19: {  	s7 =	sld [smem:$0x3F9E]  }
0x1a: {  	s8 =	sadd.s32 $0xFFFFE003, lr  }
0x1b: {  	s9 =	sadd.s32 $0xFFFFFEF7, lr;
	s5 =	simm.s32 $0xFFFFFFFF;
	p2 =	slt.u32 s8, $0xFFFFF086  }
0x1c: {  	p1 =	slt.u32 s9, $0xF7A;
	s5 =	simm.s32 @!p2 $0x0  }
0x1d: {  	s5 =	simm.s32 @p1 $0x1;
	p0 =	seq.s32 s7, s2  }
0x1e: {  	s7 =	smul.u32 @!p0 $0xF7A, s2;
	p2 =	seq.s32 @!p0 s5, $0x0  }
0x1f: {  	s9 =	smul.u32 $0xF7A, s1;
	s8 =	simm.s32 @!p0 $0x1BF5;
	p2 =	por !p2, p0  }
0x20: {  	[sflag:s8] =	ssyncset.s32 @!p0 $0xFFFFF086;
	s6 =	sadd.s32 @!p0 s3, s7;
	s7 =	simm.s32 @!p0 $0x108  }
0x21: {  	s3 =	sadd.s32 s3, s9;
	s6 =	sadd.s32 @!p0 $0x88, s6;
	s7 =	simm.s32 @p2 $0x1082  }
0x22: {  	[simem:s7], [sflag:s8] =	dma.local @!p0 [hbm:s6], $0xF7A  }
0x23: {  	s9 =	sor.u32 $0xD0000000, s2;
	s6 =	simm.s32 $0x108;
	_ =	swait.ge @!p0 [sflag:s8], $0x0  }
0x24: {  	s3 =	sadd.s32 $0x88, s3;
	s6 =	simm.s32 @!p1 $0x1082;
	[sflag:s4] =	ssyncset.s32 $0xFFFFF086  }
0x25: {  	[simem:s6], [sflag:s4] =	dma.local [hbm:s3], $0xF7A  }
0x26: {  	[smem:$0x3F9E] =	sst s1;
	(tag) =	ssettag s2;
	_ =	strace s9  }
0x27: {  	s1 =	sld [smem:$0x3FAE]  }
0x28: {  	s2 =	sld [smem:$0x3FAF]  }
0x29: {  	s4 =	sld [smem:$0x3FB1]  }
0x2a: {  	p0 =	seq.s32 s5, $0x0;
	s5 =	sld [smem:$0x3FB2]  }
0x2b: {  	s6 =	sld [smem:$0x3FB3]  }
0x2c: {  	s7 =	sld [smem:$0x3FB4]  }
0x2d: {  	s3 =	simm.s32 $0x108;
	s8 =	sld [smem:$0x3FB5]  }
0x2e: {  	s3 =	simm.s32 @!p0 $0x1082;
	s9 =	sld [smem:$0x3FB6]  }
0x2f: {  	lr =	sadd.s32 s0, s3;
	s0 =	sld [smem:$0x3FAD]  }
0x30: {  	s3 =	sld [smem:$0x3FB0]  }
0x31: {  	[smem:$0x3FB9] =	sst s10  }
0x32: {  	s10 =	sld [smem:$0x3FB7];
	_ =	sdelay $0x3  }
0x33: {  	p0 =	seq.s32 s10, $0x1;
	s10 =	sld [smem:$0x3FB9];
	_ =	sdelay $0x3  }
0x34: {  	[smem:$0x3FB9] =	sst s10  }
0x35: {  	s10 =	sld [smem:$0x3FB8];
	_ =	sdelay $0x3  }
0x36: {  	p1 =	seq.s32 s10, $0x1;
	s10 =	sld [smem:$0x3FB9];
	_ =	sdelay $0x3  }
0x37: {  	[smem:$0x3FB9] =	sst s10  }
0x38: {  	s10 =	sld [smem:$0x3FBA]  }
0x39: {  	_ = 	snop;
	(pc) =	sbr.ind lr, $3  }
0x3a: {  	_ = 	snop  }
0x3b: {  	_ = 	snop  }
0x3c: {  	p2 =	seq.s32 s10, $0x1;
	s10 =	sld [smem:$0x3FB9]  }
0x3d: {  	_ =	shalt  }
0x3e: {  	_ =	shalt  }
0x3f: {  	_ =	shalt  }
0x40: {  	_ =	shalt  }
0x41: {  	_ =	shalt  }
0x42: {  	_ =	shalt  }
0x43: {  	_ =	shalt  }
0x44: {  	_ =	shalt  }
0x45: {  	_ =	shalt  }
0x46: {  	_ =	shalt  }
0x47: {  	_ =	shalt  }
0x48: {  	_ =	shalt  }
0x49: {  	_ =	shalt  }
0x4a: {  	_ =	shalt  }
0x4b: {  	_ =	shalt  }
0x4c: {  	_ =	shalt  }
0x4d: {  	_ =	shalt  }
0x4e: {  	_ =	shalt  }
0x4f: {  	_ =	shalt  }
0x50: {  	_ =	shalt  }
0x51: {  	_ =	shalt  }
0x52: {  	_ =	shalt  }
0x53: {  	_ =	shalt  }
0x54: {  	_ =	shalt  }
0x55: {  	_ =	shalt  }
0x56: {  	_ =	shalt  }
0x57: {  	_ =	shalt  }
0x58: {  	_ =	shalt  }
0x59: {  	_ =	shalt  }
0x5a: {  	_ =	shalt  }
0x5b: {  	_ =	shalt  }
0x5c: {  	_ =	shalt  }
0x5d: {  	_ =	shalt  }
0x5e: {  	_ =	shalt  }
0x5f: {  	_ =	shalt  }
0x60: {  	_ =	shalt  }
0x61: {  	_ =	shalt  }
0x62: {  	_ =	shalt  }
0x63: {  	_ =	shalt  }
0x64: {  	_ =	shalt  }
0x65: {  	_ =	shalt  }
0x66: {  	_ =	shalt  }
0x67: {  	_ =	shalt  }
0x68: {  	_ =	shalt  }
0x69: {  	_ =	shalt  }
0x6a: {  	_ =	shalt  }
0x6b: {  	_ =	shalt  }
0x6c: {  	_ =	shalt  }
0x6d: {  	_ =	shalt  }
0x6e: {  	_ =	shalt  }
0x6f: {  	_ =	shalt  }
0x70: {  	_ =	shalt  }
0x71: {  	_ =	shalt  }
0x72: {  	_ =	shalt  }
0x73: {  	_ =	shalt  }
0x74: {  	_ =	shalt  }
0x75: {  	_ =	shalt  }
0x76: {  	_ =	shalt  }
0x77: {  	_ =	shalt  }
0x78: {  	_ =	shalt  }
0x79: {  	_ =	shalt  }
0x7a: {  	_ =	shalt  }
0x7b: {  	_ =	shalt  }
0x7c: {  	_ =	shalt  }
0x7d: {  	_ =	shalt  }
0x7e: {  	_ =	shalt  }
0x7f: {  	_ =	shalt  }
0x80: {  	_ =	shalt  }
0x81: {  	_ =	shalt  }
0x82: {  	_ =	shalt  }
0x83: {  	_ =	shalt  }
0x84: {  	_ =	shalt  }
0x85: {  	_ =	shalt  }
0x86: {  	_ =	shalt  }
0x87: {  	_ =	shalt  }
.Lfunc_end0:
.L_simem_size_0:
called_computation_lowered:
.L_overlay_start_0:
0x88: {  	s0 =	sld [smem:$0x3FD9]  }
0x89: {  	s1 =	sld [smem:$0x3FFE];
	_ =	sdelay $0x3  }
0x8a: {  	s0 =	sadd.s32 s1, s0  }
0x8b: {  	[smem:$0x3FC5] =	sst s0  }
0x8c: {  	_ = 	snop  }
0x8d: {  	s0 =	sld [smem:$0x3FC9]  }
0x8e: {  	s17 =	sld [smem:$0x3FC8]  }
0x8f: {  	s2 =	sld [smem:$0x3FC7]  }
0x90: {  	s3 =	sld [smem:$0x3FD0];
	(tm) =	ssettm $0x1  }
0x91: {  	s4 =	sld [smem:$0x3FFB];
	_ =	sdelay $0x3  }
0x92: {  	_ =	strace s4  }
0x93: {  	s4 =	sld [smem:$0x3FFC];
	_ =	sdelay $0x3  }
0x94: {  	_ =	strace s4  }
0x95: {  	s4 =	sld [smem:$0x3FFD];
	_ =	sdelay $0x3  }
0x96: {  	_ =	strace s4  }
0x97: {  	_ =	strace $0x8FFFFFFF  }
0x98: {  	s18 =	sld [smem:$0x3FDB];
	_ =	sdelay $0x1  }
0x99: {  	s5 =	simm.s32 $_scs_section_size  }
0x9a: {  	s6 =	simm.s32 $_size__tile_overlayer_lowered;
	s7 =	simm.s32 $_tile_overlayer_lowered  }
0x9b: {  	s21 =	simm.s32 $0x1BFF;
	s20 =	sshll.u32 s7, $0x1;
	s4 =	sadd.s32 s5, s18  }
0x9c: {  	s8 =	simm.s32 $0x0;
	s19 =	sshll.u32 s6, $0x1;
	s6 =	sadd.s32 s20, s4  }
0x9d: {  	[timem:s8], [sflag:s21] =	dma.local [hbm:s6], s19  }
0x9e: {  	_ =	swait.ge [sflag:s21], s19  }
0x9f: {  	s5 =	ssub.s32 $0x0, s19;
	[sflag:s21] =	ssyncset.done $0x0  }
0xa0: {  	[sflag:s21] =	ssyncadd.s32 s5;
	_ =	sdelay $0x1  }
0xa1: {  	s22 =	simm.s32 $0x1B8B  }
0xa2: {  	_ =	swait.ge [sflag:s22], $0x1  }
0xa3: {  	[sflag:s22] =	ssyncset.done $0x0  }
0xa4: {  	s23 =	simm.s32 $0x1B8E;
	[sflag:s22] =	ssyncadd.s32 $0xFFFFFFFF  }
0xa5: {  	s24 =	simm.s32 $execute0_lowered;
	[smem:$0x3FD2] =	sst s23  }
0xa6: {  	s5 =	sshll.u32 s24, $0x1;
	_ =	strace $0x80000046;
	[dreg:$0x1] =	wrdreg $0xFFFFFFFF  }
0xa7: {  	s25 =	simm.s32 $_size_execute0_lowered;
	s4 =	sadd.s32 s4, s5;
	[dreg:$0x0] =	wrdreg $0x0  }
0xa8: {  	s5 =	sshll.u32 s25, $0x1;
	[dreg:$0x2] =	wrdreg s4  }
0xa9: {  	[dreg:$0x3] =	wrdreg s5  }
0xaa: {  	[dreg:$0x4] =	wrdreg $0xC0  }
0xab: {  	_ =	task [dreg:s8], $0x5FFFF  }
0xac: {  	[dreg:$0x1] =	wrdreg $0xFFFFFFFF  }
0xad: {  	[dreg:$0x0] =	wrdreg $0x60  }
0xae: {  	[dreg:$0x2] =	wrdreg s0  }
0xaf: {  	[dreg:$0x3] =	wrdreg s17  }
0xb0: {  	[dreg:$0x4] =	wrdreg s2  }
0xb1: {  	[dreg:$0x5] =	wrdreg s3  }
0xb2: {  	[dreg:$0x6] =	wrdreg $0x9  }
0xb3: {  	_ =	task.clear_ibuf [dreg:s8], $0x7FFFF;
	_ =	strace $0x90000046  }
0xb4: {  	s26 =	simm.s32 $0x9;
	_ =	strace $0x80000048  }
0xb5: {  	_ =	swait.ge [sflag:s26], $0x1  }
0xb6: {  	[sflag:s26] =	ssyncadd.s32 $0xFFFFFFFF  }
0xb7: {  	_ =	strace $0x90000048  }
0xb8: {  	_ =	sfence  }
0xb9: {  	s28 =	sld [smem:$0x0];
	_ =	sdelay $0x1  }
0xba: {  	s29 =	srdreg.scid  }
0xbb: {  	s30 =	sshll.u32 s29, $0xD;
	s31 =	sshrl.u32 s29, $0x2  }
0xbc: {  	s1 =	sand.u32 $0x1, s29;
	s2 =	sand.u32 $0x4000, s30;
	s0 =	sadd.s32 s31, s28  }
0xbd: {  	s1 =	sor.u32 s2, s1;
	s0 =	sshll.u32 s0, $0x11  }
0xbe: {  	s0 =	sor.u32 s0, s1  }
0xbf: {  	s0 =	sadd.s32 $0x8F2B, s0  }
0xc0: {  	[sflag:s0] =	ssyncadd.remote.s32 $0x1  }
0xc1: {  	_ =	sfence.sel $0xFFFF  }
0xc2: {  	[dreg:$0x0] =	wrdreg $0xFFFFFFFF;
	(pc) =	sbr.abs _section_cstart, $3  }
0xc3: {  	[dreg:$0x1] =	wrdreg $0xFFFFFFFF  }
0xc4: {  	_ =	task.clear_ibuf [dreg:s8], $0x2FFFF;
	_ =	strace $0x9FFFFFFF  }
0xc5: {  	(tm) =	ssettm $0x7FFFFFFF  }
tec
execute0_lowered:
.L_overlay_start_1:
0x0: {  	(tag) =	ssettag $0x1  }
0x1: {  	s4 =	rddreg [dreg:$0x0]  }
0x2: {  	s5 =	rddreg [dreg:$0x1]  }
0x3: {  	s6 =	rddreg [dreg:$0x2]  }
0x4: {  	s2 =	rddreg [dreg:$0x3];
	s7 =	simm.s32 $0x0  }
0x5: {  	s1 =	stileid.u32;
	[smem:$0x7FF] =	sst s7  }
0x6: {  	s0 =	rddreg [dreg:$0x4];
	s3 =	sshll.u32 s1, $0x7;
	_ =	strace $0x80000047  }
0x7: {  	[tilespmem:s7], [sflag:$0x3] =	stream.linear.gather [hbm4b:s6+s7], $0x1A, $0x38;
	[tilespmem:$0xD00] =	vst v63  }
0x8: {  	s24 =	simm.s32 $0x100;
	s4 =	sadd.s32 s4, s3  }
0x9: {  	[tilespmem:s24], [sflag:$0x1] =	stream.linear.gather [hbm4b:s4+s7], $0x400, $0x38;
	[tilespmem:$0xD00] =	vst v63  }
0xa: {  	s26 =	simm.s32 $0x500;
	s28 =	simm.s32 $0x3;
	s25 =	sadd.s32 s5, s3  }
0xb: {  	[tilespmem:s26], [sflag:$0x2] =	stream.linear.gather [hbm4b:s25+s7], $0x400, $0x38;
	[tilespmem:$0xD00] =	vst v63  }
0xc: {  	_ =	swait.ge [sflag:s28], $0x1A  }
0xd: {  	[sflag:s28] =	ssyncset.done $0x0  }
0xe: {  	[sflag:s28] =	ssyncadd.s32 $0xFFFFFFE6  }
0xf: {  	v0 =	vld [tilespmem:$0x0];
	_ =	sdelay $0x4  }
0x10: {  	v1 =	vand.u32 $0x7FFFFFFF, v0  }
0x11: {  	v1 =	vsub.f32 $0.0e+00, v1;
	_ =	sdelay $0x1  }
0x12: {  	v1 =	vmul.f32 $1.442695020e+00, v1;
	_ =	sdelay $0x1  }
0x13: {  	(erf) = vpow2.f32 v1;
	_ =	sdelay $0x2  }
0x14: {  	v1 =	vld [tilespmem:$0x10];
	_ =	sdelay $0x4  }
0x15: {  	v2 =	vand.u32 $0x7FFFFFFF, v1  }
0x16: {  	v2 =	vsub.f32 $0.0e+00, v2;
	v3 =	vpop (erf)  }
0x17: {  	v4 =	vadd.f32 $2.000000000e+00, v3  }
0x18: {  	v2 =	vmul.f32 $1.442695020e+00, v2  }
0x19: {  	(erf) = vrcp.f32 v4  }
0x1a: {  	(erf) = vpow2.f32 v2;
	_ =	sdelay $0x7  }
0x1b: {  	v2 =	vpop (erf)  }
0x1c: {  	v4 =	vpop (erf)  }
0x1d: {  	v5 =	vadd.f32 $2.000000000e+00, v4;
	_ =	sdelay $0x1  }
0x1e: {  	(erf) = vrcp.f32 v5;
	_ =	sdelay $0x8  }
0x1f: {  	v5 =	vpop (erf)  }
0x20: {  	v4 =	vmul.f32 v5, v4  }
0x21: {  	v2 =	vmul.f32 v2, v3  }
0x22: {  	v3 =	vmul.f32 v4, v4  }
0x23: {  	v5 =	vmul.f32 v2, v2  }
0x24: {  	v6 =	vmul.f32 $1.428571490e-01, v3  }
0x25: {  	v7 =	vmul.f32 $1.428571490e-01, v5  }
0x26: {  	v6 =	vadd.f32 $2.000000030e-01, v6  }
0x27: {  	v7 =	vadd.f32 $2.000000030e-01, v7  }
0x28: {  	v6 =	vmul.f32 v6, v3  }
0x29: {  	v7 =	vmul.f32 v7, v5  }
0x2a: {  	v6 =	vadd.f32 $3.333333430e-01, v6  }
0x2b: {  	v7 =	vadd.f32 $3.333333430e-01, v7  }
0x2c: {  	v3 =	vmul.f32 v6, v3  }
0x2d: {  	v5 =	vmul.f32 v7, v5  }
0x2e: {  	v4 =	vadd.f32 v4, v4;
	v3 =	vadd.f32 $1.000000000e+00, v3  }
0x2f: {  	v2 =	vadd.f32 v2, v2;
	v5 =	vadd.f32 $1.000000000e+00, v5  }
0x30: {  	v3 =	vmul.f32 v3, v4  }
0x31: {  	v1 =	vmax.f32 v1, $0.0e+00;
	v2 =	vmul.f32 v5, v2  }
0x32: {  	v0 =	vmax.f32 v0, $0.0e+00;
	v1 =	vadd.f32 v3, v1  }
0x33: {  	vm0 =	vmmov $0x3ff;
	v0 =	vadd.f32 v2, v0  }
0x34: {  	v2 =	vnsel vm0, $0x0, v1  }
0x35: {  	v2 =	vadd.f32 v2, v0;
	_ =	sdelay $0x1  }
0x36: {  	(xrf2) =	vadd.scan.msk.f32 $0xffff, v2;
	_ =	sdelay $0x9  }
0x37: {  	v2, _, _ =	vpop (xrf2)  }
0x38: {  	v2 =	vbroadcast v2, $0xF;
	_ =	sdelay $0x1  }
0x39: {  	(erf) = vrcp.f32 v2;
	_ =	sdelay $0x8  }
0x3a: {  	v2 =	vpop (erf)  }
0x3b: {  	v2 =	vmul.f32 $2.600000000e+01, v2;
	_ =	sdelay $0x1  }
0x3c: {  	v0 =	vmul.f32 v2, v0  }
0x3d: {  	v1 =	vmul.f32 v2, v1  }
0x3e: {  	[tilespmem:$0x80] =	vst v0  }
0x3f: {  	s29 =	simm.s32 $0x1;
	[tilespmem:$0x90] =	vst v1  }
0x40: {  	_ =	swait.ge [sflag:s29], $0x400  }
0x41: {  	[sflag:s29] =	ssyncset.done $0x0  }
0x42: {  	s30 =	simm.s32 $0x2;
	[sflag:s29] =	ssyncadd.s32 $0xFFFFFC00  }
0x43: {  	_ =	swait.ge [sflag:s30], $0x400  }
0x44: {  	[sflag:s30] =	ssyncset.done $0x0  }
0x45: {  	s31 =	simm.s32 $0x140;
	[sflag:s30] =	ssyncadd.s32 $0xFFFFFC00  }
0x46: {  	v0 =	vld [tilespmem:s31+$0x30]  }
0x47: {  	v1 =	vld [tilespmem:s31+$0xFFFFFFD0]  }
0x48: {  	v2 =	vld [tilespmem:s31+$0xFFFFFFE0]  }
0x49: {  	v3 =	vld [tilespmem:s31+$0xFFFFFFF0]  }
0x4a: {  	v5 =	vld [tilespmem:s31+$0x0]  }
0x4b: {  	v6 =	vld [tilespmem:s31+$0x10]  }
0x4c: {  	v7 =	vld [tilespmem:s31+$0x20]  }
0x4d: {  	s5 =	simm.s32 $0x540;
	v8 =	vld [tilespmem:s31+$0xFFFFFFC0]  }
0x4e: {  	v11 =	vld [tilespmem:s5+$0x30]  }
0x4f: {  	v14 =	vld [tilespmem:s5+$0xFFFFFFD0]  }
0x50: {  	s4 =	simm.s32 $0x80;
	v9 =	vld [tilespmem:s5+$0xFFFFFFE0]  }
0x51: {  	v10 =	vld.idx.msk [tilespmem:v0+s4+$0x0], $0xffff  }
0x52: {  	v12 =	vld.idx.msk [tilespmem:v1+s4+$0x0], $0xffff  }
0x53: {  	v4 =	vld.idx.msk [tilespmem:v2+s4+$0x0], $0xffff  }
0x54: {  	v3 =	vld.idx.msk [tilespmem:v3+s4+$0x0], $0xffff  }
0x55: {  	v13 =	vld.idx.msk [tilespmem:v8+s4+$0x0], $0xffff  }
0x56: {  	v1 =	vld.idx.msk [tilespmem:v7+s4+$0x0], $0xffff  }
0x57: {  	v7 =	vld [tilespmem:s5+$0xFFFFFFC0]  }
0x58: {  	v2 =	vld.idx.msk [tilespmem:v5+s4+$0x0], $0xffff  }
0x59: {  	v0 =	vld.idx.msk [tilespmem:v6+s4+$0x0], $0xffff  }
0x5a: {  	v8 =	vld [tilespmem:s5+$0xFFFFFFF0]  }
0x5b: {  	v6 =	vld [tilespmem:s5+$0x0];
	v10 =	vmul.f32 v11, v10  }
0x5c: {  	s6 =	simm.s32 $0x940;
	v5 =	vld [tilespmem:s5+$0x10];
	v11 =	vmul.f32 v7, v13  }
0x5d: {  	s8 =	simm.s32 $0x1C0;
	s7 =	simm.s32 $0x0;
	v7 =	vld [tilespmem:s5+$0x20];
	[tilespmem:s6+$0x30] =	vst v10;
	v10 =	vmul.f32 v14, v12  }
.LBB2_1:
0x5e: {  	v12 =	vld [tilespmem:s8+$0x30];
	s7 =	sadd.s32 $0x80, s7;
	[tilespmem:s6+$0xFFFFFFC0] =	vst v11;
	v4 =	vmul.f32 v9, v4  }
0x5f: {  	v9 =	vld [tilespmem:s8+$0xFFFFFFD0];
	p0 =	slt.u32 s7, $0x380;
	[tilespmem:s6+$0xFFFFFFD0] =	vst v10;
	v3 =	vmul.f32 v8, v3  }
0x60: {  	v8 =	vld [tilespmem:s8+$0xFFFFFFE0];
	[tilespmem:s6+$0xFFFFFFE0] =	vst v4;
	v2 =	vmul.f32 v6, v2  }
0x61: {  	v6 =	vld [tilespmem:s8+$0xFFFFFFF0];
	[tilespmem:s6+$0xFFFFFFF0] =	vst v3;
	v0 =	vmul.f32 v5, v0  }
0x62: {  	v5 =	vld [tilespmem:s8+$0x0];
	[tilespmem:s6+$0x0] =	vst v2;
	v1 =	vmul.f32 v7, v1  }
0x63: {  	v7 =	vld [tilespmem:s8+$0x10];
	[tilespmem:s6+$0x10] =	vst v0  }
0x64: {  	v10 =	vld [tilespmem:s8+$0x20];
	[tilespmem:s6+$0x20] =	vst v1  }
0x65: {  	v1 =	vld [tilespmem:s8+$0xFFFFFFC0]  }
0x66: {  	s5 =	sadd.s32 $0x80, s5;
	v11 =	vld.idx.msk [tilespmem:v12+s4+$0x0], $0xffff  }
0x67: {  	v12 =	vld [tilespmem:s5+$0x30]  }
0x68: {  	v13 =	vld.idx.msk [tilespmem:v9+s4+$0x0], $0xffff  }
0x69: {  	v4 =	vld.idx.msk [tilespmem:v8+s4+$0x0], $0xffff  }
0x6a: {  	v3 =	vld.idx.msk [tilespmem:v6+s4+$0x0], $0xffff  }
0x6b: {  	v2 =	vld.idx.msk [tilespmem:v5+s4+$0x0], $0xffff  }
0x6c: {  	v0 =	vld.idx.msk [tilespmem:v7+s4+$0x0], $0xffff;
	v5 =	vmul.f32 v12, v11  }
0x6d: {  	s6 =	sadd.s32 $0x80, s6;
	v7 =	vld.idx.msk [tilespmem:v1+s4+$0x0], $0xffff  }
0x6e: {  	v1 =	vld.idx.msk [tilespmem:v10+s4+$0x0], $0xffff;
	[tilespmem:s6+$0x30] =	vst v5  }
0x6f: {  	v5 =	vld [tilespmem:s5+$0xFFFFFFC0]  }
0x70: {  	v10 =	vld [tilespmem:s5+$0xFFFFFFD0]  }
.Ltmp0:
0x71: {  	v9 =	vld [tilespmem:s5+$0xFFFFFFE0];
	(pc) =	sbr.rel @p0 .LBB2_1-.Ltmp0, $4  }
0x72: {  	v8 =	vld [tilespmem:s5+$0xFFFFFFF0]  }
0x73: {  	v6 =	vld [tilespmem:s5+$0x0]  }
0x74: {  	v11 =	vmul.f32 v5, v7;
	v5 =	vld [tilespmem:s5+$0x10]  }
0x75: {  	s8 =	sadd.s32 $0x80, s8;
	v10 =	vmul.f32 v10, v13;
	v7 =	vld [tilespmem:s5+$0x20]  }
0x76: {  	[tilespmem:s6+$0xFFFFFFC0] =	vst v11;
	v4 =	vmul.f32 v9, v4  }
0x77: {  	[tilespmem:s6+$0xFFFFFFD0] =	vst v10;
	v3 =	vmul.f32 v8, v3  }
0x78: {  	[tilespmem:s6+$0xFFFFFFE0] =	vst v4;
	v2 =	vmul.f32 v6, v2  }
0x79: {  	[tilespmem:s6+$0xFFFFFFF0] =	vst v3;
	v0 =	vmul.f32 v5, v0  }
0x7a: {  	[tilespmem:s6+$0x0] =	vst v2;
	v1 =	vmul.f32 v7, v1  }
0x7b: {  	s2 =	sadd.s32 s2, s3;
	[tilespmem:s6+$0x10] =	vst v0  }
0x7c: {  	s30 =	simm.s32 $0x0;
	s4 =	simm.s32 $0x900;
	s31 =	simm.s32 $0x4;
	[tilespmem:s6+$0x20] =	vst v1  }
0x7d: {  	[hbm4b:s2+s30] =	stream.linear.scatter [tilespmem:s4], [sflag:$0x4], $0x400, $0x38;
	[tilespmem:$0xD00] =	vst v63  }
0x7e: {  	_ =	swait.ge [sflag:s31], $0x400  }
0x7f: {  	[sflag:s31] =	ssyncset.done $0x0  }
0x80: {  	[sflag:s31] =	ssyncadd.s32 $0xFFFFFC00  }
0x81: {  	_ =	sfence.sel $0x180000  }
0x82: {  	[bflag:$0x0] =	sbarrier.arrive $0xFFFF  }
0x83: {  	p0 =	sne.s32 s1, $0x0;
	_ =	strace $0x90000047  }
0x84: {  	s0 =	sadd.s32 @!p0 $0x100000, s0;
	[bflag:$0x2] =	sbarrier.arrive $0xFFFF  }
0x85: {  	[sflag:s0] =	ssyncadd.tile.s32 @!p0 $0x1;
	_ =	shalt  }
.Lfunc_end2:
_tile_overlayer_lowered:
.L_overlay_start_2:
0x86: {  	(tag) =	ssettag $0x2  }
0x87: {  	s0 =	rddreg [dreg:$0x0];
	s2 =	stileid.u32  }
0x88: {  	s1 =	rddreg [dreg:$0x1];
	p0 =	sne.s32 s2, $0x0  }
0x89: {  	s3 =	rddreg [dreg:$0x2];
	[bflag:$0x3] =	sbarrier.arrive $0xFFFF;
	s2 =	simm.s32 @!p0 $0x1C04  }
0x8a: {  	[timem:s3], [sflag:s2] =	dma.local @!p0 [hbm:s0], s1  }
0x8b: {  	s0 =	simm.s32 @!p0 $0x4  }
0x8c: {  	_ =	swait.ge @!p0 [sflag:s0], s1  }
0x8d: {  	s1 =	ssub.s32 @!p0 $0x0, s1;
	[sflag:s0] =	ssyncset.done @!p0 $0x0  }
0x8e: {  	[sflag:s0] =	ssyncadd.s32 @!p0 s1  }
0x8f: {  	[bflag:$0x3] =	sbarrier.arrive $0xFFFF  }
0x90: {  	_ =	shalt  }

</sc_bundles>
